<compile_context>
chip_gen: v7x
topology: tpu7x:2x2x1
jax: 0.10.2.dev20260603
libtpu: 0.0.44.dev20260713+nightly
codegen_flags: <defaults>
</compile_context>

<pallas_src>
import jax
import jax.numpy as jnp
from jax import lax
from jax.experimental import pallas as pl
from jax.experimental.pallas import tpu as pltpu
from jax.experimental.pallas import tpu_sc as plsc

B, D, P, C = 8192, 1024, 1024, 16
NC0, NC1 = 8, 8
NCH = NC0 + NC1
BLK = 1024

SC_CORES, SC_SUBCORES, SC_LANES = 2, 16, 16
NW = SC_CORES * SC_SUBCORES
B_PER_W = B // NW


def _tc_body(x_ref, wp_ref, bp_ref, ws_ref, bs_ref, wpc_ref, bpc_ref,
             wc0_ref, bc0_ref, wc1_ref, bc1_ref,
             pe_ref, pl_ref, ce_ref, dpk_ref):
    dn = (((1,), (1,)), ((), ()))
    x = x_ref[...]
    pe = lax.dot_general(x, wp_ref[...], dn,
                         preferred_element_type=jnp.float32) + bp_ref[...]
    pe_ref[...] = pe
    pl_ref[...] = lax.dot_general(pe, wpc_ref[...], dn,
                                  preferred_element_type=jnp.float32) + bpc_ref[...]
    ce = lax.dot_general(x, ws_ref[...], dn,
                         preferred_element_type=jnp.float32) + bs_ref[...]
    ce_ref[...] = ce
    d0 = lax.dot_general(ce, wc0_ref[...], dn,
                         preferred_element_type=jnp.float32) + bc0_ref[...]
    d1 = lax.dot_general(ce, wc1_ref[...], dn,
                         preferred_element_type=jnp.float32) + bc1_ref[...]
    u0 = lax.bitcast_convert_type(d0.astype(jnp.bfloat16), jnp.uint16)
    u1 = lax.bitcast_convert_type(d1.astype(jnp.bfloat16), jnp.uint16)
    packed = (u1.astype(jnp.uint32) << 16) | u0.astype(jnp.uint32)
    dpk_ref[...] = lax.bitcast_convert_type(packed, jnp.int32)


def _tc_call(x, Wp, bp, Ws, bs, Wpc, bpc, Wc0r, bc0r, Wc1r, bc1r):
    full = lambda shape: pl.BlockSpec(shape, lambda i: (0,) * len(shape))
    return pl.pallas_call(
        _tc_body,
        grid=(B // BLK,),
        in_specs=[
            pl.BlockSpec((BLK, D), lambda i: (i, 0)),
            full((P, D)), full((1, P)),
            full((P, D)), full((1, P)),
            full((C, P)), full((1, C)),
            full((C * NC0, P)), full((1, C * NC0)),
            full((C * NC1, P)), full((1, C * NC1)),
        ],
        out_specs=[
            pl.BlockSpec((BLK, P), lambda i: (i, 0)),
            pl.BlockSpec((BLK, C), lambda i: (i, 0)),
            pl.BlockSpec((BLK, P), lambda i: (i, 0)),
            pl.BlockSpec((BLK, C * NC0), lambda i: (i, 0)),
        ],
        out_shape=[
            jax.ShapeDtypeStruct((B, P), jnp.float32),
            jax.ShapeDtypeStruct((B, C), jnp.float32),
            jax.ShapeDtypeStruct((B, P), jnp.float32),
            jax.ShapeDtypeStruct((B, C * NC0), jnp.int32),
        ],
        compiler_params=pltpu.CompilerParams(
            dimension_semantics=("parallel",)),
    )(x, Wp, bp, Ws, bs, Wpc, bpc, Wc0r, bc0r, Wc1r, bc1r)


def _sc_body(dpk_hbm, y_hbm, out_hbm, y_v, chunk_v, out_v, sem):
    wid = lax.axis_index("s") * SC_CORES + lax.axis_index("c")
    base = wid * B_PER_W
    cp_y = pltpu.async_copy(y_hbm.at[pl.ds(base, B_PER_W)], y_v, sem)
    cp_d = pltpu.async_copy(dpk_hbm.at[pl.ds(base, B_PER_W)], chunk_v, sem)
    cp_y.wait()
    cp_d.wait()

    def group(g, carry):
        rows = g * SC_LANES + lax.iota(jnp.int32, SC_LANES)
        ycols = y_v[pl.ds(g * SC_LANES, SC_LANES)] * NC0
        for t in range(NC0):
            val = plsc.load_gather(chunk_v, [rows, ycols + t])
            lo = plsc.bitcast(val << 16, jnp.float32)
            hi = plsc.bitcast(val & jnp.int32(-65536), jnp.float32)
            out_v[pl.ds(t * B_PER_W + g * SC_LANES, SC_LANES)] = lo
            out_v[pl.ds((NC0 + t) * B_PER_W + g * SC_LANES, SC_LANES)] = hi
        return carry

    lax.fori_loop(0, B_PER_W // SC_LANES, group, 0)
    pltpu.sync_copy(out_v, out_hbm.at[pl.ds(wid * NCH * B_PER_W, NCH * B_PER_W)])


def _sc_select(dpk, y):
    mesh = plsc.VectorSubcoreMesh(core_axis_name="c", subcore_axis_name="s",
                                  num_cores=SC_CORES, num_subcores=SC_SUBCORES)
    return pl.kernel(
        _sc_body,
        out_type=jax.ShapeDtypeStruct((NW * NCH * B_PER_W,), jnp.float32),
        mesh=mesh,
        scratch_types=[
            pltpu.VMEM((B_PER_W,), jnp.int32),
            pltpu.VMEM((B_PER_W, C * NC0), jnp.int32),
            pltpu.VMEM((NCH * B_PER_W,), jnp.float32),
            pltpu.SemaphoreType.DMA,
        ],
        compiler_params=pltpu.CompilerParams(use_tc_tiling_on_sc=False,
                                             needs_layout_passes=False),
    )(dpk, y)


def kernel(x, y, device, Wp, bp, Ws, bs, Wpc, bpc, Wc0, bc0, Wc1, bc1):
    pe, plog, ce, dpk = _tc_call(
        x, Wp, bp.reshape(1, P), Ws, bs.reshape(1, P),
        Wpc, bpc.reshape(1, C),
        Wc0.reshape(C * NC0, P), bc0.reshape(1, C * NC0),
        Wc1.reshape(C * NC1, P), bc1.reshape(1, C * NC1))
    out = _sc_select(dpk, y.astype(jnp.int32))
    sel = out.reshape(NW, NCH, B_PER_W).transpose(0, 2, 1).reshape(B, NCH)
    child0 = sel[:, :NC0]
    child1 = sel[:, NC0:]
    return (plog, (child0, child1), pe, ce)

# --- scband reference (transcript-rebuilt; emitter-appended) ---
"""Pipeline reference for scband-joint-embedding-classifier-66769561584332 (READ-ONLY COPY).

The authoritative reference and input builder live on the scoring server;
editing this copy changes nothing except your own understanding.
"""

import jax, jax.numpy as jnp
import numpy as np

B, D, P, C = 8192, 1024, 1024, 16
NC = [8, 8]

def setup_inputs(seed: int = 0) -> dict:
    key = jax.random.key(seed)
    ks = jax.random.split(key, 12)
    x = jax.random.normal(ks[0], (B, D), dtype=jnp.float32)
    y = jax.random.randint(ks[1], (B,), 0, C)
    Wp = jax.random.normal(ks[2], (P, D), dtype=jnp.float32) * 2e-5
    bp = jnp.zeros((P,), dtype=jnp.float32)
    Ws = jax.random.normal(ks[3], (P, D), dtype=jnp.float32) * 2e-5
    bs = jnp.zeros((P,), dtype=jnp.float32)
    Wpc = jax.random.normal(ks[4], (C, P), dtype=jnp.float32) * 2e-5
    bpc = jnp.zeros((C,), dtype=jnp.float32)
    Wc0 = jax.random.normal(ks[5], (C, NC[0], P), dtype=jnp.float32) * 2e-5
    bc0 = jnp.zeros((C, NC[0]), dtype=jnp.float32)
    Wc1 = jax.random.normal(ks[6], (C, NC[1], P), dtype=jnp.float32) * 2e-5
    bc1 = jnp.zeros((C, NC[1]), dtype=jnp.float32)
    return {"x": x, "y": y, "device": 0, "Wp": Wp, "bp": bp, "Ws": Ws, "bs": bs,
            "Wpc": Wpc, "bpc": bpc, "Wc0": Wc0, "bc0": bc0, "Wc1": Wc1, "bc1": bc1}

def reference(x, y, device, Wp, bp, Ws, bs, Wpc, bpc, Wc0, bc0, Wc1, bc1):
    # dropout (head_drop) is identity in eval / drop_path=0.0
    parent_proj_embed = x @ Wp.T + bp
    parent_logits = parent_proj_embed @ Wpc.T + bpc
    child_proj_embed = x @ Ws.T + bs
    def per_parent(Wc, bc):
        # route each token's embedding to the child classifier of its parent label y
        Wsel = jnp.take(Wc, y, axis=0)   # [B, n_child, P] gather (SparseCore-friendly)
        bsel = jnp.take(bc, y, axis=0)   # [B, n_child]
        return jnp.einsum('bp,bnp->bn', child_proj_embed, Wsel) + bsel
    child_logits = (per_parent(Wc0, bc0), per_parent(Wc1, bc1))
    return (parent_logits, child_logits, parent_proj_embed, child_proj_embed)

if __name__ == "__main__":
    import jax
    _d = setup_inputs()
    print(jax.jit(kernel)(*tuple(_d.values())))

</pallas_src>

<mosaic_0001>
#map = affine_map<(d0, d1) -> (0, 0)>
#map1 = affine_map<(d0, d1) -> (0)>
module attributes {stable_mosaic.version = 14 : i64} {
  func.func @_sc_body(%arg0: i32, %arg1: i32, %arg2: memref<8192x128xi32, #tpu.memory_space<hbm>>, %arg3: memref<8192xi32, #tpu.memory_space<hbm>>, %arg4: memref<131072xf32, #tpu.memory_space<hbm>>, %arg5: memref<256xi32, #tpu.memory_space<vmem>>, %arg6: memref<256x128xi32, #tpu.memory_space<vmem>>, %arg7: memref<4096xf32, #tpu.memory_space<vmem>>, %arg8: memref<!tpu.dma_semaphore, #tpu.memory_space<semaphore_mem>>) attributes {dimension_semantics = [#tpu.dimension_semantics<core_parallel>, #tpu.dimension_semantics<subcore_parallel>], iteration_bounds = array<i64: 2, 16>, scalar_prefetch = 0 : i64, scratch_operands = 4 : i64, tpu.core_type = #tpu.core_type<sc_vector_subcore>, window_params = [{transform_indices = #map}, {transform_indices = #map1}, {transform_indices = #map1}]} {
    %mul3A = arith.constant 2 : i32
    %mul3A_0 = arith.muli %arg1, %mul3A : i32
    %add3A = arith.addi %mul3A_0, %arg0 : i32
    %mul3A_1 = arith.constant 256 : i32
    %mul3A_2 = arith.muli %add3A, %mul3A_1 : i32
    %dma_start3A = tpu.memref_slice %arg3[%mul3A_2] : memref<8192xi32, #tpu.memory_space<hbm>> -> memref<256xi32, #tpu.memory_space<hbm>>
    %dma_start3A_3 = tpu.memref_slice %arg3[%mul3A_2] : memref<8192xi32, #tpu.memory_space<hbm>> -> memref<256xi32, #tpu.memory_space<hbm>>
    tpu.enqueue_dma source(%dma_start3A_3 : memref<256xi32, #tpu.memory_space<hbm>>) target(%arg5 : memref<256xi32, #tpu.memory_space<vmem>>) target_semaphore(%arg8 : memref<!tpu.dma_semaphore, #tpu.memory_space<semaphore_mem>>)
    %dma_start3A_4 = arith.constant 0 : i32
    %dma_start3A_5 = tpu.memref_slice %arg2[%mul3A_2, %dma_start3A_4] : memref<8192x128xi32, #tpu.memory_space<hbm>> -> memref<256x128xi32, #tpu.memory_space<hbm>>
    %dma_start3A_6 = arith.constant 0 : i32
    %dma_start3A_7 = tpu.memref_slice %arg2[%mul3A_2, %dma_start3A_6] : memref<8192x128xi32, #tpu.memory_space<hbm>> -> memref<256x128xi32, #tpu.memory_space<hbm>>
    tpu.enqueue_dma source(%dma_start3A_7 : memref<256x128xi32, #tpu.memory_space<hbm>>) target(%arg6 : memref<256x128xi32, #tpu.memory_space<vmem>>) target_semaphore(%arg8 : memref<!tpu.dma_semaphore, #tpu.memory_space<semaphore_mem>>)
    %dma_wait3A = tpu.memref_slice %arg3[%mul3A_2] : memref<8192xi32, #tpu.memory_space<hbm>> -> memref<256xi32, #tpu.memory_space<hbm>>
    %dma_wait3A_8 = tpu.memref_slice %arg3[%mul3A_2] : memref<8192xi32, #tpu.memory_space<hbm>> -> memref<256xi32, #tpu.memory_space<hbm>>
    tpu.wait_dma2 semaphore(%arg8 : memref<!tpu.dma_semaphore, #tpu.memory_space<semaphore_mem>>) src(%dma_wait3A_8 : memref<256xi32, #tpu.memory_space<hbm>>) dst(%arg5 : memref<256xi32, #tpu.memory_space<vmem>>)
    %dma_wait3A_9 = arith.constant 0 : i32
    %dma_wait3A_10 = tpu.memref_slice %arg2[%mul3A_2, %dma_wait3A_9] : memref<8192x128xi32, #tpu.memory_space<hbm>> -> memref<256x128xi32, #tpu.memory_space<hbm>>
    %dma_wait3A_11 = arith.constant 0 : i32
    %dma_wait3A_12 = tpu.memref_slice %arg2[%mul3A_2, %dma_wait3A_11] : memref<8192x128xi32, #tpu.memory_space<hbm>> -> memref<256x128xi32, #tpu.memory_space<hbm>>
    tpu.wait_dma2 semaphore(%arg8 : memref<!tpu.dma_semaphore, #tpu.memory_space<semaphore_mem>>) src(%dma_wait3A_12 : memref<256x128xi32, #tpu.memory_space<hbm>>) dst(%arg6 : memref<256x128xi32, #tpu.memory_space<vmem>>)
    %scan3A = arith.constant 0 : i32
    %scan3A_13 = arith.constant 0 : i32
    %scan3A_14 = arith.constant 16 : i32
    %scan3A_15 = arith.addi %scan3A_13, %scan3A_14 : i32
    %scan3A_16 = arith.constant 1 : i32
    scf.for %scan3A_22 = %scan3A_13 to %scan3A_15 step %scan3A_16  : i32 {
      %mul3A_23 = arith.constant 16 : i32
      %mul3A_24 = arith.muli %scan3A_22, %mul3A_23 : i32
      %iota3A = tpu.iota {dimensions = array<i32: 0>} : vector<16xi32>
      %add3A_25 = vector.broadcast %mul3A_24 : i32 to vector<16xi32>
      %add3A_26 = arith.addi %add3A_25, %iota3A : vector<16xi32>
      %mul3A_27 = arith.constant 16 : i32
      %mul3A_28 = arith.muli %scan3A_22, %mul3A_27 : i32
      %get3A = arith.index_cast %mul3A_28 : i32 to index
      %get3A_29 = tpu.vector_load %arg5[%get3A] {strides = array<i32>} : memref<256xi32, #tpu.memory_space<vmem>>, vector<16xi32>,
      %mul3A_30 = arith.constant 8 : i32
      %mul3A_31 = vector.broadcast %mul3A_30 : i32 to vector<16xi32>
      %mul3A_32 = arith.muli %get3A_29, %mul3A_31 : vector<16xi32>
      %add3A_33 = arith.constant 0 : i32
      %add3A_34 = vector.broadcast %add3A_33 : i32 to vector<16xi32>
      %add3A_35 = arith.addi %mul3A_32, %add3A_34 : vector<16xi32>
      %gather3A = tpu.vector_load_idx %arg6[%add3A_26, %add3A_35] : memref<256x128xi32, #tpu.memory_space<vmem>>[vector<16xi32>, vector<16xi32>], vector<16xi32>,
      %shift_left3A = arith.constant 16 : i32
      %shift_left3A_36 = vector.broadcast %shift_left3A : i32 to vector<16xi32>
      %shift_left3A_37 = arith.shli %gather3A, %shift_left3A_36 : vector<16xi32>
      %bitcast3A = vector.bitcast %shift_left3A_37 : vector<16xi32> to vector<16xf32>
      %and3A = arith.constant -65536 : i32
      %and3A_38 = vector.broadcast %and3A : i32 to vector<16xi32>
      %and3A_39 = arith.andi %gather3A, %and3A_38 : vector<16xi32>
      %bitcast3A_40 = vector.bitcast %and3A_39 : vector<16xi32> to vector<16xf32>
      %mul3A_41 = arith.constant 16 : i32
      %mul3A_42 = arith.muli %scan3A_22, %mul3A_41 : i32
      %add3A_43 = arith.constant 0 : i32
      %add3A_44 = arith.addi %add3A_43, %mul3A_42 : i32
      %swap3A = arith.index_cast %add3A_44 : i32 to index
      %swap3A_45 = tpu.vector_load %arg7[%swap3A] {strides = array<i32>} : memref<4096xf32, #tpu.memory_space<vmem>>, vector<16xf32>,
      tpu.vector_store %arg7[%swap3A], %bitcast3A {strides = array<i32>} : memref<4096xf32, #tpu.memory_space<vmem>>, vector<16xf32>,
      %mul3A_46 = arith.constant 16 : i32
      %mul3A_47 = arith.muli %scan3A_22, %mul3A_46 : i32
      %add3A_48 = arith.constant 2048 : i32
      %add3A_49 = arith.addi %add3A_48, %mul3A_47 : i32
      %swap3A_50 = arith.index_cast %add3A_49 : i32 to index
      %swap3A_51 = tpu.vector_load %arg7[%swap3A_50] {strides = array<i32>} : memref<4096xf32, #tpu.memory_space<vmem>>, vector<16xf32>,
      tpu.vector_store %arg7[%swap3A_50], %bitcast3A_40 {strides = array<i32>} : memref<4096xf32, #tpu.memory_space<vmem>>, vector<16xf32>,
      %add3A_52 = arith.constant 1 : i32
      %add3A_53 = vector.broadcast %add3A_52 : i32 to vector<16xi32>
      %add3A_54 = arith.addi %mul3A_32, %add3A_53 : vector<16xi32>
      %gather3A_55 = tpu.vector_load_idx %arg6[%add3A_26, %add3A_54] : memref<256x128xi32, #tpu.memory_space<vmem>>[vector<16xi32>, vector<16xi32>], vector<16xi32>,
      %shift_left3A_56 = arith.constant 16 : i32
      %shift_left3A_57 = vector.broadcast %shift_left3A_56 : i32 to vector<16xi32>
      %shift_left3A_58 = arith.shli %gather3A_55, %shift_left3A_57 : vector<16xi32>
      %bitcast3A_59 = vector.bitcast %shift_left3A_58 : vector<16xi32> to vector<16xf32>
      %and3A_60 = arith.constant -65536 : i32
      %and3A_61 = vector.broadcast %and3A_60 : i32 to vector<16xi32>
      %and3A_62 = arith.andi %gather3A_55, %and3A_61 : vector<16xi32>
      %bitcast3A_63 = vector.bitcast %and3A_62 : vector<16xi32> to vector<16xf32>
      %mul3A_64 = arith.constant 16 : i32
      %mul3A_65 = arith.muli %scan3A_22, %mul3A_64 : i32
      %add3A_66 = arith.constant 256 : i32
      %add3A_67 = arith.addi %add3A_66, %mul3A_65 : i32
      %swap3A_68 = arith.index_cast %add3A_67 : i32 to index
      %swap3A_69 = tpu.vector_load %arg7[%swap3A_68] {strides = array<i32>} : memref<4096xf32, #tpu.memory_space<vmem>>, vector<16xf32>,
      tpu.vector_store %arg7[%swap3A_68], %bitcast3A_59 {strides = array<i32>} : memref<4096xf32, #tpu.memory_space<vmem>>, vector<16xf32>,
      %mul3A_70 = arith.constant 16 : i32
      %mul3A_71 = arith.muli %scan3A_22, %mul3A_70 : i32
      %add3A_72 = arith.constant 2304 : i32
      %add3A_73 = arith.addi %add3A_72, %mul3A_71 : i32
      %swap3A_74 = arith.index_cast %add3A_73 : i32 to index
      %swap3A_75 = tpu.vector_load %arg7[%swap3A_74] {strides = array<i32>} : memref<4096xf32, #tpu.memory_space<vmem>>, vector<16xf32>,
      tpu.vector_store %arg7[%swap3A_74], %bitcast3A_63 {strides = array<i32>} : memref<4096xf32, #tpu.memory_space<vmem>>, vector<16xf32>,
      %add3A_76 = arith.constant 2 : i32
      %add3A_77 = vector.broadcast %add3A_76 : i32 to vector<16xi32>
      %add3A_78 = arith.addi %mul3A_32, %add3A_77 : vector<16xi32>
      %gather3A_79 = tpu.vector_load_idx %arg6[%add3A_26, %add3A_78] : memref<256x128xi32, #tpu.memory_space<vmem>>[vector<16xi32>, vector<16xi32>], vector<16xi32>,
      %shift_left3A_80 = arith.constant 16 : i32
      %shift_left3A_81 = vector.broadcast %shift_left3A_80 : i32 to vector<16xi32>
      %shift_left3A_82 = arith.shli %gather3A_79, %shift_left3A_81 : vector<16xi32>
      %bitcast3A_83 = vector.bitcast %shift_left3A_82 : vector<16xi32> to vector<16xf32>
      %and3A_84 = arith.constant -65536 : i32
      %and3A_85 = vector.broadcast %and3A_84 : i32 to vector<16xi32>
      %and3A_86 = arith.andi %gather3A_79, %and3A_85 : vector<16xi32>
      %bitcast3A_87 = vector.bitcast %and3A_86 : vector<16xi32> to vector<16xf32>
      %mul3A_88 = arith.constant 16 : i32
      %mul3A_89 = arith.muli %scan3A_22, %mul3A_88 : i32
      %add3A_90 = arith.constant 512 : i32
      %add3A_91 = arith.addi %add3A_90, %mul3A_89 : i32
      %swap3A_92 = arith.index_cast %add3A_91 : i32 to index
      %swap3A_93 = tpu.vector_load %arg7[%swap3A_92] {strides = array<i32>} : memref<4096xf32, #tpu.memory_space<vmem>>, vector<16xf32>,
      tpu.vector_store %arg7[%swap3A_92], %bitcast3A_83 {strides = array<i32>} : memref<4096xf32, #tpu.memory_space<vmem>>, vector<16xf32>,
      %mul3A_94 = arith.constant 16 : i32
      %mul3A_95 = arith.muli %scan3A_22, %mul3A_94 : i32
      %add3A_96 = arith.constant 2560 : i32
      %add3A_97 = arith.addi %add3A_96, %mul3A_95 : i32
      %swap3A_98 = arith.index_cast %add3A_97 : i32 to index
      %swap3A_99 = tpu.vector_load %arg7[%swap3A_98] {strides = array<i32>} : memref<4096xf32, #tpu.memory_space<vmem>>, vector<16xf32>,
      tpu.vector_store %arg7[%swap3A_98], %bitcast3A_87 {strides = array<i32>} : memref<4096xf32, #tpu.memory_space<vmem>>, vector<16xf32>,
      %add3A_100 = arith.constant 3 : i32
      %add3A_101 = vector.broadcast %add3A_100 : i32 to vector<16xi32>
      %add3A_102 = arith.addi %mul3A_32, %add3A_101 : vector<16xi32>
      %gather3A_103 = tpu.vector_load_idx %arg6[%add3A_26, %add3A_102] : memref<256x128xi32, #tpu.memory_space<vmem>>[vector<16xi32>, vector<16xi32>], vector<16xi32>,
      %shift_left3A_104 = arith.constant 16 : i32
      %shift_left3A_105 = vector.broadcast %shift_left3A_104 : i32 to vector<16xi32>
      %shift_left3A_106 = arith.shli %gather3A_103, %shift_left3A_105 : vector<16xi32>
      %bitcast3A_107 = vector.bitcast %shift_left3A_106 : vector<16xi32> to vector<16xf32>
      %and3A_108 = arith.constant -65536 : i32
      %and3A_109 = vector.broadcast %and3A_108 : i32 to vector<16xi32>
      %and3A_110 = arith.andi %gather3A_103, %and3A_109 : vector<16xi32>
      %bitcast3A_111 = vector.bitcast %and3A_110 : vector<16xi32> to vector<16xf32>
      %mul3A_112 = arith.constant 16 : i32
      %mul3A_113 = arith.muli %scan3A_22, %mul3A_112 : i32
      %add3A_114 = arith.constant 768 : i32
      %add3A_115 = arith.addi %add3A_114, %mul3A_113 : i32
      %swap3A_116 = arith.index_cast %add3A_115 : i32 to index
      %swap3A_117 = tpu.vector_load %arg7[%swap3A_116] {strides = array<i32>} : memref<4096xf32, #tpu.memory_space<vmem>>, vector<16xf32>,
      tpu.vector_store %arg7[%swap3A_116], %bitcast3A_107 {strides = array<i32>} : memref<4096xf32, #tpu.memory_space<vmem>>, vector<16xf32>,
      %mul3A_118 = arith.constant 16 : i32
      %mul3A_119 = arith.muli %scan3A_22, %mul3A_118 : i32
      %add3A_120 = arith.constant 2816 : i32
      %add3A_121 = arith.addi %add3A_120, %mul3A_119 : i32
      %swap3A_122 = arith.index_cast %add3A_121 : i32 to index
      %swap3A_123 = tpu.vector_load %arg7[%swap3A_122] {strides = array<i32>} : memref<4096xf32, #tpu.memory_space<vmem>>, vector<16xf32>,
      tpu.vector_store %arg7[%swap3A_122], %bitcast3A_111 {strides = array<i32>} : memref<4096xf32, #tpu.memory_space<vmem>>, vector<16xf32>,
      %add3A_124 = arith.constant 4 : i32
      %add3A_125 = vector.broadcast %add3A_124 : i32 to vector<16xi32>
      %add3A_126 = arith.addi %mul3A_32, %add3A_125 : vector<16xi32>
      %gather3A_127 = tpu.vector_load_idx %arg6[%add3A_26, %add3A_126] : memref<256x128xi32, #tpu.memory_space<vmem>>[vector<16xi32>, vector<16xi32>], vector<16xi32>,
      %shift_left3A_128 = arith.constant 16 : i32
      %shift_left3A_129 = vector.broadcast %shift_left3A_128 : i32 to vector<16xi32>
      %shift_left3A_130 = arith.shli %gather3A_127, %shift_left3A_129 : vector<16xi32>
      %bitcast3A_131 = vector.bitcast %shift_left3A_130 : vector<16xi32> to vector<16xf32>
      %and3A_132 = arith.constant -65536 : i32
      %and3A_133 = vector.broadcast %and3A_132 : i32 to vector<16xi32>
      %and3A_134 = arith.andi %gather3A_127, %and3A_133 : vector<16xi32>
      %bitcast3A_135 = vector.bitcast %and3A_134 : vector<16xi32> to vector<16xf32>
      %mul3A_136 = arith.constant 16 : i32
      %mul3A_137 = arith.muli %scan3A_22, %mul3A_136 : i32
      %add3A_138 = arith.constant 1024 : i32
      %add3A_139 = arith.addi %add3A_138, %mul3A_137 : i32
      %swap3A_140 = arith.index_cast %add3A_139 : i32 to index
      %swap3A_141 = tpu.vector_load %arg7[%swap3A_140] {strides = array<i32>} : memref<4096xf32, #tpu.memory_space<vmem>>, vector<16xf32>,
      tpu.vector_store %arg7[%swap3A_140], %bitcast3A_131 {strides = array<i32>} : memref<4096xf32, #tpu.memory_space<vmem>>, vector<16xf32>,
      %mul3A_142 = arith.constant 16 : i32
      %mul3A_143 = arith.muli %scan3A_22, %mul3A_142 : i32
      %add3A_144 = arith.constant 3072 : i32
      %add3A_145 = arith.addi %add3A_144, %mul3A_143 : i32
      %swap3A_146 = arith.index_cast %add3A_145 : i32 to index
      %swap3A_147 = tpu.vector_load %arg7[%swap3A_146] {strides = array<i32>} : memref<4096xf32, #tpu.memory_space<vmem>>, vector<16xf32>,
      tpu.vector_store %arg7[%swap3A_146], %bitcast3A_135 {strides = array<i32>} : memref<4096xf32, #tpu.memory_space<vmem>>, vector<16xf32>,
      %add3A_148 = arith.constant 5 : i32
      %add3A_149 = vector.broadcast %add3A_148 : i32 to vector<16xi32>
      %add3A_150 = arith.addi %mul3A_32, %add3A_149 : vector<16xi32>
      %gather3A_151 = tpu.vector_load_idx %arg6[%add3A_26, %add3A_150] : memref<256x128xi32, #tpu.memory_space<vmem>>[vector<16xi32>, vector<16xi32>], vector<16xi32>,
      %shift_left3A_152 = arith.constant 16 : i32
      %shift_left3A_153 = vector.broadcast %shift_left3A_152 : i32 to vector<16xi32>
      %shift_left3A_154 = arith.shli %gather3A_151, %shift_left3A_153 : vector<16xi32>
      %bitcast3A_155 = vector.bitcast %shift_left3A_154 : vector<16xi32> to vector<16xf32>
      %and3A_156 = arith.constant -65536 : i32
      %and3A_157 = vector.broadcast %and3A_156 : i32 to vector<16xi32>
      %and3A_158 = arith.andi %gather3A_151, %and3A_157 : vector<16xi32>
      %bitcast3A_159 = vector.bitcast %and3A_158 : vector<16xi32> to vector<16xf32>
      %mul3A_160 = arith.constant 16 : i32
      %mul3A_161 = arith.muli %scan3A_22, %mul3A_160 : i32
      %add3A_162 = arith.constant 1280 : i32
      %add3A_163 = arith.addi %add3A_162, %mul3A_161 : i32
      %swap3A_164 = arith.index_cast %add3A_163 : i32 to index
      %swap3A_165 = tpu.vector_load %arg7[%swap3A_164] {strides = array<i32>} : memref<4096xf32, #tpu.memory_space<vmem>>, vector<16xf32>,
      tpu.vector_store %arg7[%swap3A_164], %bitcast3A_155 {strides = array<i32>} : memref<4096xf32, #tpu.memory_space<vmem>>, vector<16xf32>,
      %mul3A_166 = arith.constant 16 : i32
      %mul3A_167 = arith.muli %scan3A_22, %mul3A_166 : i32
      %add3A_168 = arith.constant 3328 : i32
      %add3A_169 = arith.addi %add3A_168, %mul3A_167 : i32
      %swap3A_170 = arith.index_cast %add3A_169 : i32 to index
      %swap3A_171 = tpu.vector_load %arg7[%swap3A_170] {strides = array<i32>} : memref<4096xf32, #tpu.memory_space<vmem>>, vector<16xf32>,
      tpu.vector_store %arg7[%swap3A_170], %bitcast3A_159 {strides = array<i32>} : memref<4096xf32, #tpu.memory_space<vmem>>, vector<16xf32>,
      %add3A_172 = arith.constant 6 : i32
      %add3A_173 = vector.broadcast %add3A_172 : i32 to vector<16xi32>
      %add3A_174 = arith.addi %mul3A_32, %add3A_173 : vector<16xi32>
      %gather3A_175 = tpu.vector_load_idx %arg6[%add3A_26, %add3A_174] : memref<256x128xi32, #tpu.memory_space<vmem>>[vector<16xi32>, vector<16xi32>], vector<16xi32>,
      %shift_left3A_176 = arith.constant 16 : i32
      %shift_left3A_177 = vector.broadcast %shift_left3A_176 : i32 to vector<16xi32>
      %shift_left3A_178 = arith.shli %gather3A_175, %shift_left3A_177 : vector<16xi32>
      %bitcast3A_179 = vector.bitcast %shift_left3A_178 : vector<16xi32> to vector<16xf32>
      %and3A_180 = arith.constant -65536 : i32
      %and3A_181 = vector.broadcast %and3A_180 : i32 to vector<16xi32>
      %and3A_182 = arith.andi %gather3A_175, %and3A_181 : vector<16xi32>
      %bitcast3A_183 = vector.bitcast %and3A_182 : vector<16xi32> to vector<16xf32>
      %mul3A_184 = arith.constant 16 : i32
      %mul3A_185 = arith.muli %scan3A_22, %mul3A_184 : i32
      %add3A_186 = arith.constant 1536 : i32
      %add3A_187 = arith.addi %add3A_186, %mul3A_185 : i32
      %swap3A_188 = arith.index_cast %add3A_187 : i32 to index
      %swap3A_189 = tpu.vector_load %arg7[%swap3A_188] {strides = array<i32>} : memref<4096xf32, #tpu.memory_space<vmem>>, vector<16xf32>,
      tpu.vector_store %arg7[%swap3A_188], %bitcast3A_179 {strides = array<i32>} : memref<4096xf32, #tpu.memory_space<vmem>>, vector<16xf32>,
      %mul3A_190 = arith.constant 16 : i32
      %mul3A_191 = arith.muli %scan3A_22, %mul3A_190 : i32
      %add3A_192 = arith.constant 3584 : i32
      %add3A_193 = arith.addi %add3A_192, %mul3A_191 : i32
      %swap3A_194 = arith.index_cast %add3A_193 : i32 to index
      %swap3A_195 = tpu.vector_load %arg7[%swap3A_194] {strides = array<i32>} : memref<4096xf32, #tpu.memory_space<vmem>>, vector<16xf32>,
      tpu.vector_store %arg7[%swap3A_194], %bitcast3A_183 {strides = array<i32>} : memref<4096xf32, #tpu.memory_space<vmem>>, vector<16xf32>,
      %add3A_196 = arith.constant 7 : i32
      %add3A_197 = vector.broadcast %add3A_196 : i32 to vector<16xi32>
      %add3A_198 = arith.addi %mul3A_32, %add3A_197 : vector<16xi32>
      %gather3A_199 = tpu.vector_load_idx %arg6[%add3A_26, %add3A_198] : memref<256x128xi32, #tpu.memory_space<vmem>>[vector<16xi32>, vector<16xi32>], vector<16xi32>,
      %shift_left3A_200 = arith.constant 16 : i32
      %shift_left3A_201 = vector.broadcast %shift_left3A_200 : i32 to vector<16xi32>
      %shift_left3A_202 = arith.shli %gather3A_199, %shift_left3A_201 : vector<16xi32>
      %bitcast3A_203 = vector.bitcast %shift_left3A_202 : vector<16xi32> to vector<16xf32>
      %and3A_204 = arith.constant -65536 : i32
      %and3A_205 = vector.broadcast %and3A_204 : i32 to vector<16xi32>
      %and3A_206 = arith.andi %gather3A_199, %and3A_205 : vector<16xi32>
      %bitcast3A_207 = vector.bitcast %and3A_206 : vector<16xi32> to vector<16xf32>
      %mul3A_208 = arith.constant 16 : i32
      %mul3A_209 = arith.muli %scan3A_22, %mul3A_208 : i32
      %add3A_210 = arith.constant 1792 : i32
      %add3A_211 = arith.addi %add3A_210, %mul3A_209 : i32
      %swap3A_212 = arith.index_cast %add3A_211 : i32 to index
      %swap3A_213 = tpu.vector_load %arg7[%swap3A_212] {strides = array<i32>} : memref<4096xf32, #tpu.memory_space<vmem>>, vector<16xf32>,
      tpu.vector_store %arg7[%swap3A_212], %bitcast3A_203 {strides = array<i32>} : memref<4096xf32, #tpu.memory_space<vmem>>, vector<16xf32>,
      %mul3A_214 = arith.constant 16 : i32
      %mul3A_215 = arith.muli %scan3A_22, %mul3A_214 : i32
      %add3A_216 = arith.constant 3840 : i32
      %add3A_217 = arith.addi %add3A_216, %mul3A_215 : i32
      %swap3A_218 = arith.index_cast %add3A_217 : i32 to index
      %swap3A_219 = tpu.vector_load %arg7[%swap3A_218] {strides = array<i32>} : memref<4096xf32, #tpu.memory_space<vmem>>, vector<16xf32>,
      tpu.vector_store %arg7[%swap3A_218], %bitcast3A_207 {strides = array<i32>} : memref<4096xf32, #tpu.memory_space<vmem>>, vector<16xf32>,
    }
    %scan3A_17 = arith.constant 16 : i32
    %mul3A_18 = arith.constant 16 : i32
    %mul3A_19 = arith.muli %add3A, %mul3A_18 : i32
    %mul3A_20 = arith.constant 256 : i32
    %mul3A_21 = arith.muli %mul3A_19, %mul3A_20 : i32
    "tpu.region"() ({
      %run_scoped3A = tpu.sem_alloc : memref<!tpu.dma_semaphore, #tpu.memory_space<semaphore_mem>>
      %dma_start3A_22 = tpu.memref_slice %arg4[%mul3A_21] : memref<131072xf32, #tpu.memory_space<hbm>> -> memref<4096xf32, #tpu.memory_space<hbm>>
      %dma_start3A_23 = tpu.memref_slice %arg4[%mul3A_21] : memref<131072xf32, #tpu.memory_space<hbm>> -> memref<4096xf32, #tpu.memory_space<hbm>>
      tpu.enqueue_dma source(%arg7 : memref<4096xf32, #tpu.memory_space<vmem>>) target(%dma_start3A_23 : memref<4096xf32, #tpu.memory_space<hbm>>) target_semaphore(%run_scoped3A : memref<!tpu.dma_semaphore, #tpu.memory_space<semaphore_mem>>)
      %dma_wait3A_24 = tpu.memref_slice %arg4[%mul3A_21] : memref<131072xf32, #tpu.memory_space<hbm>> -> memref<4096xf32, #tpu.memory_space<hbm>>
      %dma_wait3A_25 = tpu.memref_slice %arg4[%mul3A_21] : memref<131072xf32, #tpu.memory_space<hbm>> -> memref<4096xf32, #tpu.memory_space<hbm>>
      tpu.wait_dma2 semaphore(%run_scoped3A : memref<!tpu.dma_semaphore, #tpu.memory_space<semaphore_mem>>) src(%arg7 : memref<4096xf32, #tpu.memory_space<vmem>>) dst(%dma_wait3A_25 : memref<4096xf32, #tpu.memory_space<hbm>>)
      tpu.yield
    }) : () -> ()
    return
  }
}

module attributes {stable_mosaic.version = 14 : i64} {
  func.func @_tc_body(%arg0: i32, %arg1: memref<1024x1024xf32, #tpu.memory_space<vmem>>, %arg2: memref<1024x1024xf32, #tpu.memory_space<vmem>>, %arg3: memref<1x1024xf32, #tpu.memory_space<vmem>>, %arg4: memref<1024x1024xf32, #tpu.memory_space<vmem>>, %arg5: memref<1x1024xf32, #tpu.memory_space<vmem>>, %arg6: memref<16x1024xf32, #tpu.memory_space<vmem>>, %arg7: memref<1x16xf32, #tpu.memory_space<vmem>>, %arg8: memref<128x1024xf32, #tpu.memory_space<vmem>>, %arg9: memref<1x128xf32, #tpu.memory_space<vmem>>, %arg10: memref<128x1024xf32, #tpu.memory_space<vmem>>, %arg11: memref<1x128xf32, #tpu.memory_space<vmem>>, %arg12: memref<1024x1024xf32, #tpu.memory_space<vmem>>, %arg13: memref<1024x16xf32, #tpu.memory_space<vmem>>, %arg14: memref<1024x1024xf32, #tpu.memory_space<vmem>>, %arg15: memref<1024x128xi32, #tpu.memory_space<vmem>>) attributes {dimension_semantics = [#tpu.dimension_semantics<parallel>], iteration_bounds = array<i64: 8>, scalar_prefetch = 0 : i64, scratch_operands = 0 : i64, tpu.core_type = #tpu.core_type<tc>, window_params = [{transform_indices = @transform_0, window_bounds = array<i64: 1024, 1024>}, {pipeline_mode = #tpu.pipeline_mode<synchronous>, transform_indices = @transform_1, window_bounds = array<i64: 1024, 1024>}, {pipeline_mode = #tpu.pipeline_mode<synchronous>, transform_indices = @transform_2, window_bounds = array<i64: 1, 1024>}, {pipeline_mode = #tpu.pipeline_mode<synchronous>, transform_indices = @transform_3, window_bounds = array<i64: 1024, 1024>}, {pipeline_mode = #tpu.pipeline_mode<synchronous>, transform_indices = @transform_4, window_bounds = array<i64: 1, 1024>}, {pipeline_mode = #tpu.pipeline_mode<synchronous>, transform_indices = @transform_5, window_bounds = array<i64: 16, 1024>}, {pipeline_mode = #tpu.pipeline_mode<synchronous>, transform_indices = @transform_6, window_bounds = array<i64: 1, 16>}, {pipeline_mode = #tpu.pipeline_mode<synchronous>, transform_indices = @transform_7, window_bounds = array<i64: 128, 1024>}, {pipeline_mode = #tpu.pipeline_mode<synchronous>, transform_indices = @transform_8, window_bounds = array<i64: 1, 128>}, {pipeline_mode = #tpu.pipeline_mode<synchronous>, transform_indices = @transform_9, window_bounds = array<i64: 128, 1024>}, {pipeline_mode = #tpu.pipeline_mode<synchronous>, transform_indices = @transform_10, window_bounds = array<i64: 1, 128>}, {transform_indices = @transform_11, window_bounds = array<i64: 1024, 1024>}, {transform_indices = @transform_12, window_bounds = array<i64: 1024, 16>}, {transform_indices = @transform_13, window_bounds = array<i64: 1024, 1024>}, {transform_indices = @transform_14, window_bounds = array<i64: 1024, 128>}]} {
    %get3A = arith.constant 0 : index
    %get3A_0 = arith.constant 0 : index
    %get3A_1 = vector.load %arg1[%get3A, %get3A_0] : memref<1024x1024xf32, #tpu.memory_space<vmem>>, vector<1024x1024xf32>
    %get3A_2 = arith.constant 0 : index
    %get3A_3 = arith.constant 0 : index
    %get3A_4 = vector.load %arg2[%get3A_2, %get3A_3] : memref<1024x1024xf32, #tpu.memory_space<vmem>>, vector<1024x1024xf32>
    %dot_general3A = arith.constant dense<0.000000e+00> : vector<1024x1024xf32>
    %dot_general3A_5 = tpu.matmul %get3A_1, %get3A_4, %dot_general3A {dimension_numbers = #tpu.dot_dimension_numbers<[1], [1], [0], [0], [0, 0, 1, 0], [], []>, transpose_lhs_hint = false} : vector<1024x1024xf32>, vector<1024x1024xf32>, vector<1024x1024xf32> -> vector<1024x1024xf32>
    %get3A_6 = arith.constant 0 : index
    %get3A_7 = arith.constant 0 : index
    %get3A_8 = vector.load %arg3[%get3A_6, %get3A_7] : memref<1x1024xf32, #tpu.memory_space<vmem>>, vector<1x1024xf32>
    %add3A = vector.broadcast %get3A_8 : vector<1x1024xf32> to vector<1024x1024xf32>
    %add3A_9 = arith.addf %dot_general3A_5, %add3A : vector<1024x1024xf32>
    %swap3A = arith.constant 0 : index
    %swap3A_10 = arith.constant 0 : index
    %swap3A_11 = vector.load %arg12[%swap3A, %swap3A_10] : memref<1024x1024xf32, #tpu.memory_space<vmem>>, vector<1024x1024xf32>
    tpu.vector_store %arg12[%swap3A, %swap3A_10], %add3A_9 {strides = array<i32>} : memref<1024x1024xf32, #tpu.memory_space<vmem>>, vector<1024x1024xf32>,
    %get3A_12 = arith.constant 0 : index
    %get3A_13 = arith.constant 0 : index
    %get3A_14 = vector.load %arg6[%get3A_12, %get3A_13] : memref<16x1024xf32, #tpu.memory_space<vmem>>, vector<16x1024xf32>
    %dot_general3A_15 = arith.constant dense<0.000000e+00> : vector<1024x16xf32>
    %dot_general3A_16 = tpu.matmul %add3A_9, %get3A_14, %dot_general3A_15 {dimension_numbers = #tpu.dot_dimension_numbers<[1], [1], [0], [0], [0, 0, 1, 0], [], []>, transpose_lhs_hint = false} : vector<1024x1024xf32>, vector<16x1024xf32>, vector<1024x16xf32> -> vector<1024x16xf32>
    %get3A_17 = arith.constant 0 : index
    %get3A_18 = arith.constant 0 : index
    %get3A_19 = vector.load %arg7[%get3A_17, %get3A_18] : memref<1x16xf32, #tpu.memory_space<vmem>>, vector<1x16xf32>
    %add3A_20 = vector.broadcast %get3A_19 : vector<1x16xf32> to vector<1024x16xf32>
    %add3A_21 = arith.addf %dot_general3A_16, %add3A_20 : vector<1024x16xf32>
    %swap3A_22 = arith.constant 0 : index
    %swap3A_23 = arith.constant 0 : index
    %swap3A_24 = vector.load %arg13[%swap3A_22, %swap3A_23] : memref<1024x16xf32, #tpu.memory_space<vmem>>, vector<1024x16xf32>
    tpu.vector_store %arg13[%swap3A_22, %swap3A_23], %add3A_21 {strides = array<i32>} : memref<1024x16xf32, #tpu.memory_space<vmem>>, vector<1024x16xf32>,
    %get3A_25 = arith.constant 0 : index
    %get3A_26 = arith.constant 0 : index
    %get3A_27 = vector.load %arg4[%get3A_25, %get3A_26] : memref<1024x1024xf32, #tpu.memory_space<vmem>>, vector<1024x1024xf32>
    %dot_general3A_28 = arith.constant dense<0.000000e+00> : vector<1024x1024xf32>
    %dot_general3A_29 = tpu.matmul %get3A_1, %get3A_27, %dot_general3A_28 {dimension_numbers = #tpu.dot_dimension_numbers<[1], [1], [0], [0], [0, 0, 1, 0], [], []>, transpose_lhs_hint = false} : vector<1024x1024xf32>, vector<1024x1024xf32>, vector<1024x1024xf32> -> vector<1024x1024xf32>
    %get3A_30 = arith.constant 0 : index
    %get3A_31 = arith.constant 0 : index
    %get3A_32 = vector.load %arg5[%get3A_30, %get3A_31] : memref<1x1024xf32, #tpu.memory_space<vmem>>, vector<1x1024xf32>
    %add3A_33 = vector.broadcast %get3A_32 : vector<1x1024xf32> to vector<1024x1024xf32>
    %add3A_34 = arith.addf %dot_general3A_29, %add3A_33 : vector<1024x1024xf32>
    %swap3A_35 = arith.constant 0 : index
    %swap3A_36 = arith.constant 0 : index
    %swap3A_37 = vector.load %arg14[%swap3A_35, %swap3A_36] : memref<1024x1024xf32, #tpu.memory_space<vmem>>, vector<1024x1024xf32>
    tpu.vector_store %arg14[%swap3A_35, %swap3A_36], %add3A_34 {strides = array<i32>} : memref<1024x1024xf32, #tpu.memory_space<vmem>>, vector<1024x1024xf32>,
    %get3A_38 = arith.constant 0 : index
    %get3A_39 = arith.constant 0 : index
    %get3A_40 = vector.load %arg8[%get3A_38, %get3A_39] : memref<128x1024xf32, #tpu.memory_space<vmem>>, vector<128x1024xf32>
    %dot_general3A_41 = arith.constant dense<0.000000e+00> : vector<1024x128xf32>
    %dot_general3A_42 = tpu.matmul %add3A_34, %get3A_40, %dot_general3A_41 {dimension_numbers = #tpu.dot_dimension_numbers<[1], [1], [0], [0], [0, 0, 1, 0], [], []>, transpose_lhs_hint = false} : vector<1024x1024xf32>, vector<128x1024xf32>, vector<1024x128xf32> -> vector<1024x128xf32>
    %get3A_43 = arith.constant 0 : index
    %get3A_44 = arith.constant 0 : index
    %get3A_45 = vector.load %arg9[%get3A_43, %get3A_44] : memref<1x128xf32, #tpu.memory_space<vmem>>, vector<1x128xf32>
    %add3A_46 = vector.broadcast %get3A_45 : vector<1x128xf32> to vector<1024x128xf32>
    %add3A_47 = arith.addf %dot_general3A_42, %add3A_46 : vector<1024x128xf32>
    %get3A_48 = arith.constant 0 : index
    %get3A_49 = arith.constant 0 : index
    %get3A_50 = vector.load %arg10[%get3A_48, %get3A_49] : memref<128x1024xf32, #tpu.memory_space<vmem>>, vector<128x1024xf32>
    %dot_general3A_51 = arith.constant dense<0.000000e+00> : vector<1024x128xf32>
    %dot_general3A_52 = tpu.matmul %add3A_34, %get3A_50, %dot_general3A_51 {dimension_numbers = #tpu.dot_dimension_numbers<[1], [1], [0], [0], [0, 0, 1, 0], [], []>, transpose_lhs_hint = false} : vector<1024x1024xf32>, vector<128x1024xf32>, vector<1024x128xf32> -> vector<1024x128xf32>
    %get3A_53 = arith.constant 0 : index
    %get3A_54 = arith.constant 0 : index
    %get3A_55 = vector.load %arg11[%get3A_53, %get3A_54] : memref<1x128xf32, #tpu.memory_space<vmem>>, vector<1x128xf32>
    %add3A_56 = vector.broadcast %get3A_55 : vector<1x128xf32> to vector<1024x128xf32>
    %add3A_57 = arith.addf %dot_general3A_52, %add3A_56 : vector<1024x128xf32>
    %convert_element_type3A = arith.truncf %add3A_47 : vector<1024x128xf32> to vector<1024x128xbf16>
    %bitcast_convert_type3A = tpu.bitcast %convert_element_type3A : vector<1024x128xbf16> -> vector<1024x128xi16>
    %convert_element_type3A_58 = arith.truncf %add3A_57 : vector<1024x128xf32> to vector<1024x128xbf16>
    %bitcast_convert_type3A_59 = tpu.bitcast %convert_element_type3A_58 : vector<1024x128xbf16> -> vector<1024x128xi16>
    %convert_element_type3A_60 = arith.extui %bitcast_convert_type3A_59 : vector<1024x128xi16> to vector<1024x128xi32>
    %shift_left3A = arith.constant 16 : i32
    %shift_left3A_61 = vector.broadcast %shift_left3A : i32 to vector<1024x128xi32>
    %shift_left3A_62 = arith.shli %convert_element_type3A_60, %shift_left3A_61 : vector<1024x128xi32>
    %convert_element_type3A_63 = arith.extui %bitcast_convert_type3A : vector<1024x128xi16> to vector<1024x128xi32>
    %or3A = arith.ori %shift_left3A_62, %convert_element_type3A_63 : vector<1024x128xi32>
    %bitcast_convert_type3A_64 = tpu.bitcast %or3A : vector<1024x128xi32> -> vector<1024x128xi32>
    %swap3A_65 = arith.constant 0 : index
    %swap3A_66 = arith.constant 0 : index
    %swap3A_67 = vector.load %arg15[%swap3A_65, %swap3A_66] : memref<1024x128xi32, #tpu.memory_space<vmem>>, vector<1024x128xi32>
    tpu.vector_store %arg15[%swap3A_65, %swap3A_66], %bitcast_convert_type3A_64 {strides = array<i32>} : memref<1024x128xi32, #tpu.memory_space<vmem>>, vector<1024x128xi32>,
    return
  }
  func.func @transform_0(%arg0: i32) -> (i32, i32) {
    %c0_i32 = arith.constant 0 : i32
    %c0_i32_0 = arith.constant 0 : i32
    return %arg0, %c0_i32 : i32, i32
  }
  func.func @transform_1(%arg0: i32) -> (i32, i32) {
    %c0_i32 = arith.constant 0 : i32
    %c0_i32_0 = arith.constant 0 : i32
    %c0_i32_1 = arith.constant 0 : i32
    return %c0_i32, %c0_i32_0 : i32, i32
  }
  func.func @transform_2(%arg0: i32) -> (i32, i32) {
    %c0_i32 = arith.constant 0 : i32
    %c0_i32_0 = arith.constant 0 : i32
    %c0_i32_1 = arith.constant 0 : i32
    return %c0_i32, %c0_i32_0 : i32, i32
  }
  func.func @transform_3(%arg0: i32) -> (i32, i32) {
    %c0_i32 = arith.constant 0 : i32
    %c0_i32_0 = arith.constant 0 : i32
    %c0_i32_1 = arith.constant 0 : i32
    return %c0_i32, %c0_i32_0 : i32, i32
  }
  func.func @transform_4(%arg0: i32) -> (i32, i32) {
    %c0_i32 = arith.constant 0 : i32
    %c0_i32_0 = arith.constant 0 : i32
    %c0_i32_1 = arith.constant 0 : i32
    return %c0_i32, %c0_i32_0 : i32, i32
  }
  func.func @transform_5(%arg0: i32) -> (i32, i32) {
    %c0_i32 = arith.constant 0 : i32
    %c0_i32_0 = arith.constant 0 : i32
    %c0_i32_1 = arith.constant 0 : i32
    return %c0_i32, %c0_i32_0 : i32, i32
  }
  func.func @transform_6(%arg0: i32) -> (i32, i32) {
    %c0_i32 = arith.constant 0 : i32
    %c0_i32_0 = arith.constant 0 : i32
    %c0_i32_1 = arith.constant 0 : i32
    return %c0_i32, %c0_i32_0 : i32, i32
  }
  func.func @transform_7(%arg0: i32) -> (i32, i32) {
    %c0_i32 = arith.constant 0 : i32
    %c0_i32_0 = arith.constant 0 : i32
    %c0_i32_1 = arith.constant 0 : i32
    return %c0_i32, %c0_i32_0 : i32, i32
  }
  func.func @transform_8(%arg0: i32) -> (i32, i32) {
    %c0_i32 = arith.constant 0 : i32
    %c0_i32_0 = arith.constant 0 : i32
    %c0_i32_1 = arith.constant 0 : i32
    return %c0_i32, %c0_i32_0 : i32, i32
  }
  func.func @transform_9(%arg0: i32) -> (i32, i32) {
    %c0_i32 = arith.constant 0 : i32
    %c0_i32_0 = arith.constant 0 : i32
    %c0_i32_1 = arith.constant 0 : i32
    return %c0_i32, %c0_i32_0 : i32, i32
  }
  func.func @transform_10(%arg0: i32) -> (i32, i32) {
    %c0_i32 = arith.constant 0 : i32
    %c0_i32_0 = arith.constant 0 : i32
    %c0_i32_1 = arith.constant 0 : i32
    return %c0_i32, %c0_i32_0 : i32, i32
  }
  func.func @transform_11(%arg0: i32) -> (i32, i32) {
    %c0_i32 = arith.constant 0 : i32
    %c0_i32_0 = arith.constant 0 : i32
    return %arg0, %c0_i32 : i32, i32
  }
  func.func @transform_12(%arg0: i32) -> (i32, i32) {
    %c0_i32 = arith.constant 0 : i32
    %c0_i32_0 = arith.constant 0 : i32
    return %arg0, %c0_i32 : i32, i32
  }
  func.func @transform_13(%arg0: i32) -> (i32, i32) {
    %c0_i32 = arith.constant 0 : i32
    %c0_i32_0 = arith.constant 0 : i32
    return %arg0, %c0_i32 : i32, i32
  }
  func.func @transform_14(%arg0: i32) -> (i32, i32) {
    %c0_i32 = arith.constant 0 : i32
    %c0_i32_0 = arith.constant 0 : i32
    return %arg0, %c0_i32 : i32, i32
  }
}

</mosaic_0001>

<sc_bundles>
// kernel: kernel.4.cloned.1.call-start
scs
__scs_entry_jumppad:
0x0: {  	(pc) =	sbr.rel $0x88, $3  }
0x1: {  	(tag) =	ssettag $0x0;
	lr =	simm.s32 $0x1  }
0x2: {  	[smem:$0x3F95] =	sst lr;
	_ =	strace $0xD0000000  }
0x3: {  	_ = 	snop  }
0x4: {  	_ = 	snop  }
0x5: {  	_ = 	snop  }
0x6: {  	_ = 	snop  }
0x7: {  	_ = 	snop  }
__scs_overlays_trampoline_lowered:
0x8: {  	[smem:$0x3FA4] =	sst s0  }
0x9: {  	[smem:$0x3FA5] =	sst s1  }
0xa: {  	[smem:$0x3FA6] =	sst s2  }
0xb: {  	[smem:$0x3FA7] =	sst s3  }
0xc: {  	[smem:$0x3FA8] =	sst s4  }
0xd: {  	[smem:$0x3FA9] =	sst s5  }
0xe: {  	[smem:$0x3FAA] =	sst s6  }
0xf: {  	[smem:$0x3FAB] =	sst s7  }
0x10: {  	[smem:$0x3FAC] =	sst s8  }
0x11: {  	[smem:$0x3FAD] =	sst s9;
	s0 =	simm.s32 @!p0 $0x0  }
0x12: {  	s1 =	sld [smem:$0x3F93];
	s0 =	simm.s32 @p0 $0x1  }
0x13: {  	[smem:$0x3FAE] =	sst s0;
	s0 =	simm.s32 @!p1 $0x0  }
0x14: {  	s2 =	sld [smem:$0x3F92];
	s0 =	simm.s32 @p1 $0x1  }
0x15: {  	[smem:$0x3FAF] =	sst s0;
	s0 =	simm.s32 @!p2 $0x0  }
0x16: {  	s3 =	sld [smem:$0x3FDB];
	s0 =	simm.s32 @p2 $0x1  }
0x17: {  	s4 =	simm.s32 $0x1BF5;
	[smem:$0x3FB1] =	sst s0  }
0x18: {  	s0 =	sld [smem:$0x3F94];
	_ =	swait.ge [sflag:s4], $0x0  }
0x19: {  	s7 =	sld [smem:$0x3F95]  }
0x1a: {  	s8 =	sadd.s32 $0xFFFFE003, lr  }
0x1b: {  	s9 =	sadd.s32 $0xFFFFFEF7, lr;
	s5 =	simm.s32 $0xFFFFFFFF;
	p2 =	slt.u32 s8, $0xFFFFF086  }
0x1c: {  	p1 =	slt.u32 s9, $0xF7A;
	s5 =	simm.s32 @!p2 $0x0  }
0x1d: {  	s5 =	simm.s32 @p1 $0x1;
	p0 =	seq.s32 s7, s2  }
0x1e: {  	s7 =	smul.u32 @!p0 $0xF7A, s2;
	p2 =	seq.s32 @!p0 s5, $0x0  }
0x1f: {  	s9 =	smul.u32 $0xF7A, s1;
	s8 =	simm.s32 @!p0 $0x1BF5;
	p2 =	por !p2, p0  }
0x20: {  	[sflag:s8] =	ssyncset.s32 @!p0 $0xFFFFF086;
	s6 =	sadd.s32 @!p0 s3, s7;
	s7 =	simm.s32 @!p0 $0x108  }
0x21: {  	s3 =	sadd.s32 s3, s9;
	s6 =	sadd.s32 @!p0 $0x88, s6;
	s7 =	simm.s32 @p2 $0x1082  }
0x22: {  	[simem:s7], [sflag:s8] =	dma.local @!p0 [hbm:s6], $0xF7A  }
0x23: {  	s9 =	sor.u32 $0xD0000000, s2;
	s6 =	simm.s32 $0x108;
	_ =	swait.ge @!p0 [sflag:s8], $0x0  }
0x24: {  	s3 =	sadd.s32 $0x88, s3;
	s6 =	simm.s32 @!p1 $0x1082;
	[sflag:s4] =	ssyncset.s32 $0xFFFFF086  }
0x25: {  	[simem:s6], [sflag:s4] =	dma.local [hbm:s3], $0xF7A  }
0x26: {  	[smem:$0x3F95] =	sst s1;
	(tag) =	ssettag s2;
	_ =	strace s9  }
0x27: {  	s1 =	sld [smem:$0x3FA5]  }
0x28: {  	s2 =	sld [smem:$0x3FA6]  }
0x29: {  	s4 =	sld [smem:$0x3FA8]  }
0x2a: {  	p0 =	seq.s32 s5, $0x0;
	s5 =	sld [smem:$0x3FA9]  }
0x2b: {  	s6 =	sld [smem:$0x3FAA]  }
0x2c: {  	s7 =	sld [smem:$0x3FAB]  }
0x2d: {  	s3 =	simm.s32 $0x108;
	s8 =	sld [smem:$0x3FAC]  }
0x2e: {  	s3 =	simm.s32 @!p0 $0x1082;
	s9 =	sld [smem:$0x3FAD]  }
0x2f: {  	lr =	sadd.s32 s0, s3;
	s0 =	sld [smem:$0x3FA4]  }
0x30: {  	s3 =	sld [smem:$0x3FA7]  }
0x31: {  	[smem:$0x3FB0] =	sst s10  }
0x32: {  	s10 =	sld [smem:$0x3FAE];
	_ =	sdelay $0x3  }
0x33: {  	p0 =	seq.s32 s10, $0x1;
	s10 =	sld [smem:$0x3FB0];
	_ =	sdelay $0x3  }
0x34: {  	[smem:$0x3FB0] =	sst s10  }
0x35: {  	s10 =	sld [smem:$0x3FAF];
	_ =	sdelay $0x3  }
0x36: {  	p1 =	seq.s32 s10, $0x1;
	s10 =	sld [smem:$0x3FB0];
	_ =	sdelay $0x3  }
0x37: {  	[smem:$0x3FB0] =	sst s10  }
0x38: {  	s10 =	sld [smem:$0x3FB1]  }
0x39: {  	_ = 	snop;
	(pc) =	sbr.ind lr, $3  }
0x3a: {  	_ = 	snop  }
0x3b: {  	_ = 	snop  }
0x3c: {  	p2 =	seq.s32 s10, $0x1;
	s10 =	sld [smem:$0x3FB0]  }
0x3d: {  	_ =	shalt  }
0x3e: {  	_ =	shalt  }
0x3f: {  	_ =	shalt  }
0x40: {  	_ =	shalt  }
0x41: {  	_ =	shalt  }
0x42: {  	_ =	shalt  }
0x43: {  	_ =	shalt  }
0x44: {  	_ =	shalt  }
0x45: {  	_ =	shalt  }
0x46: {  	_ =	shalt  }
0x47: {  	_ =	shalt  }
0x48: {  	_ =	shalt  }
0x49: {  	_ =	shalt  }
0x4a: {  	_ =	shalt  }
0x4b: {  	_ =	shalt  }
0x4c: {  	_ =	shalt  }
0x4d: {  	_ =	shalt  }
0x4e: {  	_ =	shalt  }
0x4f: {  	_ =	shalt  }
0x50: {  	_ =	shalt  }
0x51: {  	_ =	shalt  }
0x52: {  	_ =	shalt  }
0x53: {  	_ =	shalt  }
0x54: {  	_ =	shalt  }
0x55: {  	_ =	shalt  }
0x56: {  	_ =	shalt  }
0x57: {  	_ =	shalt  }
0x58: {  	_ =	shalt  }
0x59: {  	_ =	shalt  }
0x5a: {  	_ =	shalt  }
0x5b: {  	_ =	shalt  }
0x5c: {  	_ =	shalt  }
0x5d: {  	_ =	shalt  }
0x5e: {  	_ =	shalt  }
0x5f: {  	_ =	shalt  }
0x60: {  	_ =	shalt  }
0x61: {  	_ =	shalt  }
0x62: {  	_ =	shalt  }
0x63: {  	_ =	shalt  }
0x64: {  	_ =	shalt  }
0x65: {  	_ =	shalt  }
0x66: {  	_ =	shalt  }
0x67: {  	_ =	shalt  }
0x68: {  	_ =	shalt  }
0x69: {  	_ =	shalt  }
0x6a: {  	_ =	shalt  }
0x6b: {  	_ =	shalt  }
0x6c: {  	_ =	shalt  }
0x6d: {  	_ =	shalt  }
0x6e: {  	_ =	shalt  }
0x6f: {  	_ =	shalt  }
0x70: {  	_ =	shalt  }
0x71: {  	_ =	shalt  }
0x72: {  	_ =	shalt  }
0x73: {  	_ =	shalt  }
0x74: {  	_ =	shalt  }
0x75: {  	_ =	shalt  }
0x76: {  	_ =	shalt  }
0x77: {  	_ =	shalt  }
0x78: {  	_ =	shalt  }
0x79: {  	_ =	shalt  }
0x7a: {  	_ =	shalt  }
0x7b: {  	_ =	shalt  }
0x7c: {  	_ =	shalt  }
0x7d: {  	_ =	shalt  }
0x7e: {  	_ =	shalt  }
0x7f: {  	_ =	shalt  }
0x80: {  	_ =	shalt  }
0x81: {  	_ =	shalt  }
0x82: {  	_ =	shalt  }
0x83: {  	_ =	shalt  }
0x84: {  	_ =	shalt  }
0x85: {  	_ =	shalt  }
0x86: {  	_ =	shalt  }
0x87: {  	_ =	shalt  }
.Lfunc_end0:
.L_simem_size_0:
called_computation_lowered:
.L_overlay_start_0:
0x88: {  	s2 =	sld [smem:$0x3FD9]  }
0x89: {  	s3 =	sld [smem:$0x3FFE];
	_ =	sdelay $0x1  }
0x8a: {  	s1 =	srdreg.scid  }
0x8b: {  	s0 =	sand.u32 $0x1, s1  }
0x8c: {  	s17 =	sshll.u32 s0, $0xA;
	s2 =	sadd.s32 s3, s2  }
0x8d: {  	s2 =	sadd.s32 s2, s17  }
0x8e: {  	[smem:$0x3FBC] =	sst s2  }
0x8f: {  	_ = 	snop  }
0x90: {  	s2 =	sld [smem:$0x3FC8];
	(tm) =	ssettm $0x1  }
0x91: {  	s18 =	sld [smem:$0x3FFB];
	_ =	sdelay $0x3  }
0x92: {  	_ =	strace s18  }
0x93: {  	s3 =	sld [smem:$0x3FFC];
	_ =	sdelay $0x3  }
0x94: {  	_ =	strace s3  }
0x95: {  	s3 =	sld [smem:$0x3FFD];
	_ =	sdelay $0x3  }
0x96: {  	_ =	strace s3  }
0x97: {  	_ =	strace $0x8FFFFFFF  }
0x98: {  	s19 =	sld [smem:$0x3FDB];
	_ =	sdelay $0x1  }
0x99: {  	s4 =	simm.s32 $_scs_section_size  }
0x9a: {  	s5 =	simm.s32 $_size__tile_overlayer_lowered;
	s6 =	simm.s32 $_tile_overlayer_lowered  }
0x9b: {  	s22 =	simm.s32 $0x1BFF;
	s21 =	sshll.u32 s6, $0x1;
	s3 =	sadd.s32 s4, s19  }
0x9c: {  	s7 =	simm.s32 $0x0;
	s20 =	sshll.u32 s5, $0x1;
	s5 =	sadd.s32 s21, s3  }
0x9d: {  	[timem:s7], [sflag:s22] =	dma.local [hbm:s5], s20  }
0x9e: {  	_ =	swait.ge [sflag:s22], s20  }
0x9f: {  	s4 =	ssub.s32 $0x0, s20;
	[sflag:s22] =	ssyncset.done $0x0  }
0xa0: {  	[sflag:s22] =	ssyncadd.s32 s4;
	_ =	sdelay $0x1  }
0xa1: {  	s23 =	simm.s32 $0x1B8B  }
0xa2: {  	_ =	swait.ge [sflag:s23], $0x1  }
0xa3: {  	[sflag:s23] =	ssyncset.done $0x0  }
0xa4: {  	s25 =	simm.s32 $0x1B8E;
	s24 =	sld [smem:$0x3FFE];
	[sflag:s23] =	ssyncadd.s32 $0xFFFFFFFF  }
0xa5: {  	s26 =	simm.s32 $execute0_lowered;
	[smem:$0x3FD2] =	sst s25  }
0xa6: {  	s5 =	sshll.u32 s26, $0x1;
	_ =	strace $0x80000046;
	[dreg:$0x1] =	wrdreg $0xFFFFFFFF  }
0xa7: {  	s28 =	simm.s32 $_size_execute0_lowered;
	s3 =	sadd.s32 s3, s5;
	[dreg:$0x0] =	wrdreg $0x0  }
0xa8: {  	s5 =	sshll.u32 s28, $0x1;
	[dreg:$0x2] =	wrdreg s3  }
0xa9: {  	[dreg:$0x3] =	wrdreg s5  }
0xaa: {  	[dreg:$0x4] =	wrdreg $0xC0  }
0xab: {  	_ =	task [dreg:s7], $0x5FFFF  }
0xac: {  	[dreg:$0x1] =	wrdreg $0xFFFFFFFF  }
0xad: {  	[dreg:$0x0] =	wrdreg $0x60  }
0xae: {  	[dreg:$0x2] =	wrdreg s24  }
0xaf: {  	[dreg:$0x3] =	wrdreg s2  }
0xb0: {  	[dreg:$0x4] =	wrdreg $0x9  }
0xb1: {  	_ =	task.clear_ibuf [dreg:s7], $0x5FFFF;
	_ =	strace $0x90000046  }
0xb2: {  	s29 =	simm.s32 $0x9;
	_ =	strace $0x80000048  }
0xb3: {  	_ =	swait.ge [sflag:s29], $0x1  }
0xb4: {  	[sflag:s29] =	ssyncadd.s32 $0xFFFFFFFF  }
0xb5: {  	_ =	strace $0x90000048  }
0xb6: {  	_ =	sfence  }
0xb7: {  	s30 =	sld [smem:$0x0];
	_ =	sdelay $0x2  }
0xb8: {  	s31 =	sshll.u32 s1, $0xD;
	s1 =	sshrl.u32 s1, $0x2  }
0xb9: {  	s3 =	sand.u32 $0x4000, s31;
	s1 =	sadd.s32 s1, s30  }
0xba: {  	s0 =	sor.u32 s3, s0;
	s1 =	sshll.u32 s1, $0x11  }
0xbb: {  	s0 =	sor.u32 s1, s0  }
0xbc: {  	s0 =	sadd.s32 $0x8F2B, s0  }
0xbd: {  	[sflag:s0] =	ssyncadd.remote.s32 $0x1  }
0xbe: {  	_ =	sfence.sel $0xFFFF  }
0xbf: {  	[dreg:$0x0] =	wrdreg $0xFFFFFFFF;
	(pc) =	sbr.abs _section_cstart, $3  }
0xc0: {  	[dreg:$0x1] =	wrdreg $0xFFFFFFFF  }
0xc1: {  	_ =	task.clear_ibuf [dreg:s7], $0x2FFFF;
	_ =	strace $0x9FFFFFFF  }
0xc2: {  	(tm) =	ssettm $0x7FFFFFFF  }
0xc3: {  	_ =	shalt  }
tec
execute0_lowered:
.L_overlay_start_1:
0x0: {  	(tag) =	ssettag $0x1  }
0x1: {  	s3 =	rddreg [dreg:$0x0]  }
0x2: {  	s4 =	rddreg [dreg:$0x1]  }
0x3: {  	s0 =	rddreg [dreg:$0x2];
	s5 =	srdreg.scid  }
0x4: {  	s1 =	stileid.u32;
	s2 =	simm.s32 $0x0;
	s10 =	simm.s32 $0x2  }
0x5: {  	s5 =	sand.u32 $0x1, s5;
	s6 =	sshll.u32 s1, $0x1;
	[smem:$0x7FF] =	sst s2  }
0x6: {  	s11 =	simm.s32 $0x0;
	s6 =	sor.u32 s5, s6;
	_ =	strace $0x80000047  }
0x7: {  	s5 =	ssub.s32 $0x2, s5;
	s7 =	sshll.u32 s6, $0xC;
	s8 =	sshll.u32 s6, $0x9  }
0x8: {  	s9 =	sshrl.u32 s5, $0x1;
	s31 =	sshll.u32 s6, $0x5;
	s7 =	sadd.s32 s7, s3  }
0x9: {  	s8 =	sadd.s32 s8, s3;
	s9 =	ssub.s32 s5, s9;
	s3 =	sadd.s32 s4, s31  }
0xa: {  	v0 =	vlaneseq.u32;
	s4 =	sadd.s32 $0x1A00, s7;
	s5 =	sadd.s32 $0x21A00, s8;
	s6 =	smax.u32 s9, $0x1  }
0xb: {  	v0 =	vmul.u32 $0x80, v0;
	s7 =	simm.s32 $0x100;
	s8 =	simm.s32 $0x1;
	s9 =	simm.s32 $0x8100  }
.LBB2_1:
0xc: {  	[tilespmem:s2], [sflag:$0x1] =	stream.linear.gather [hbm4b:s3+s2], $0x100, $0x38;
	[tilespmem:$0x9100] =	vst v63  }
0xd: {  	_ = 	snop  }
0xe: {  	[tilespmem:s7], [sflag:$0x1] =	stream.linear.gather [hbm4b:s4+s2], $0x8000, $0x38;
	[tilespmem:$0x9100] =	vst v63  }
0xf: {  	_ =	swait.ge [sflag:s8], $0x100  }
0x10: {  	[sflag:s8] =	ssyncset.done $0x0  }
0x11: {  	[sflag:s8] =	ssyncadd.s32 $0xFFFFFF00  }
0x12: {  	_ =	swait.ge [sflag:s8], $0x8000  }
0x13: {  	[sflag:s8] =	ssyncset.done $0x0  }
0x14: {  	[sflag:s8] =	ssyncadd.s32 $0xFFFF8000  }
0x15: {  	v1 =	vld [tilespmem:s2+$0x0];
	_ =	sdelay $0x2  }
0x16: {  	v2 =	vmov s2  }
0x17: {  	v2 =	vshll.u32 v2, $0x7  }
0x18: {  	v2 =	vor.u32 v0, v2;
	v1 =	vshll.u32 v1, $0x3  }
0x19: {  	v1 =	vadd.s32 v2, v1;
	_ =	sdelay $0x4  }
0x1a: {  	v2 =	vld.idx.msk [tilespmem:v1+s7+$0x0], $0xffff;
	_ =	sdelay $0x2  }
0x1b: {  	v3 =	vor.u32 $0x1, v1;
	_ =	sdelay $0x1  }
0x1c: {  	s12 =	simm.s32 $0x8900;
	v4 =	vshll.u32 v2, $0x10  }
0x1d: {  	v2 =	vand.u32 $0xFFFF0000, v2;
	[tilespmem:s12+$0xFFFFF800] =	vst v4  }
0x1e: {  	[tilespmem:s12+$0x0] =	vst v2  }
0x1f: {  	v2 =	vld.idx.msk [tilespmem:v3+s7+$0x0], $0xffff;
	_ =	sdelay $0x2  }
0x20: {  	v3 =	vor.u32 $0x2, v1;
	_ =	sdelay $0x1  }
0x21: {  	v59 =	vshll.u32 v2, $0x10  }
0x22: {  	v2 =	vand.u32 $0xFFFF0000, v2;
	[tilespmem:s12+$0xFFFFF900] =	vst v59  }
0x23: {  	[tilespmem:s12+$0x100] =	vst v2  }
0x24: {  	v2 =	vld.idx.msk [tilespmem:v3+s7+$0x0], $0xffff;
	_ =	sdelay $0x2  }
0x25: {  	v3 =	vor.u32 $0x3, v1;
	_ =	sdelay $0x1  }
0x26: {  	v60 =	vshll.u32 v2, $0x10  }
0x27: {  	v2 =	vand.u32 $0xFFFF0000, v2;
	[tilespmem:s12+$0xFFFFFA00] =	vst v60  }
0x28: {  	[tilespmem:s12+$0x200] =	vst v2  }
0x29: {  	v2 =	vld.idx.msk [tilespmem:v3+s7+$0x0], $0xffff;
	_ =	sdelay $0x2  }
0x2a: {  	v3 =	vor.u32 $0x4, v1;
	_ =	sdelay $0x1  }
0x2b: {  	v61 =	vshll.u32 v2, $0x10  }
0x2c: {  	v2 =	vand.u32 $0xFFFF0000, v2;
	[tilespmem:s12+$0xFFFFFB00] =	vst v61  }
0x2d: {  	[tilespmem:s12+$0x300] =	vst v2  }
0x2e: {  	v2 =	vld.idx.msk [tilespmem:v3+s7+$0x0], $0xffff;
	_ =	sdelay $0x2  }
0x2f: {  	v3 =	vor.u32 $0x5, v1;
	_ =	sdelay $0x1  }
0x30: {  	v62 =	vshll.u32 v2, $0x10  }
0x31: {  	v2 =	vand.u32 $0xFFFF0000, v2;
	[tilespmem:s12+$0xFFFFFC00] =	vst v62  }
0x32: {  	[tilespmem:s12+$0x400] =	vst v2  }
0x33: {  	v2 =	vld.idx.msk [tilespmem:v3+s7+$0x0], $0xffff;
	_ =	sdelay $0x2  }
0x34: {  	v3 =	vor.u32 $0x6, v1;
	_ =	sdelay $0x1  }
0x35: {  	v63 =	vshll.u32 v2, $0x10  }
0x36: {  	v2 =	vand.u32 $0xFFFF0000, v2;
	[tilespmem:s12+$0xFFFFFD00] =	vst v63  }
0x37: {  	[tilespmem:s12+$0x500] =	vst v2  }
0x38: {  	v2 =	vld.idx.msk [tilespmem:v3+s7+$0x0], $0xffff;
	_ =	sdelay $0x2  }
0x39: {  	v1 =	vor.u32 $0x7, v1;
	_ =	sdelay $0x1  }
0x3a: {  	v3 =	vshll.u32 v2, $0x10  }
0x3b: {  	v2 =	vand.u32 $0xFFFF0000, v2;
	[tilespmem:s12+$0xFFFFFE00] =	vst v3  }
0x3c: {  	s14 =	simm.s32 $0x10;
	s15 =	simm.s32 $0x0;
	s13 =	simm.s32 $0x8900;
	[tilespmem:s12+$0x600] =	vst v2  }
.LBB2_2:
0x3d: {  	p0 =	sne.s32 s14, $0xF0;
	v1 =	vld.idx.msk [tilespmem:v1+s7+$0x0], $0xffff;
	s15 =	sadd.s32 $0x10, s15;
	s12 =	sadd.s32 $0x10, s12  }
0x3e: {  	s16 =	smov.u32 s14;
	s14 =	sadd.s32 $0x10, s14;
	_ =	sdelay $0x4  }
0x3f: {  	v2 =	vshll.u32 v1, $0x10;
	v1 =	vand.u32 $0xFFFF0000, v1  }
0x40: {  	[tilespmem:s13+$0xFFFFFF00] =	vst v2  }
0x41: {  	[tilespmem:s13+$0x700] =	vst v1;
	s13 =	smov.u32 s12  }
0x42: {  	v1 =	vld [tilespmem:s15+$0x0];
	_ =	sdelay $0x2  }
0x43: {  	v2 =	vmov s16  }
0x44: {  	v2 =	vshll.u32 v2, $0x7  }
0x45: {  	v2 =	vor.u32 v0, v2;
	v1 =	vshll.u32 v1, $0x3  }
0x46: {  	v1 =	vadd.s32 v2, v1;
	_ =	sdelay $0x4  }
0x47: {  	v2 =	vld.idx.msk [tilespmem:v1+s7+$0x0], $0xffff;
	_ =	sdelay $0x2  }
0x48: {  	v3 =	vor.u32 $0x1, v1;
	_ =	sdelay $0x2  }
0x49: {  	v4 =	vshll.u32 v2, $0x10;
	v2 =	vand.u32 $0xFFFF0000, v2  }
0x4a: {  	[tilespmem:s12+$0xFFFFF800] =	vst v4  }
0x4b: {  	[tilespmem:s12+$0x0] =	vst v2  }
0x4c: {  	v2 =	vld.idx.msk [tilespmem:v3+s7+$0x0], $0xffff;
	_ =	sdelay $0x1  }
0x4d: {  	v3 =	vor.u32 $0x2, v1;
	_ =	sdelay $0x3  }
0x4e: {  	v4 =	vshll.u32 v2, $0x10;
	v2 =	vand.u32 $0xFFFF0000, v2  }
0x4f: {  	[tilespmem:s12+$0xFFFFF900] =	vst v4  }
0x50: {  	[tilespmem:s12+$0x100] =	vst v2  }
0x51: {  	v2 =	vld.idx.msk [tilespmem:v3+s7+$0x0], $0xffff  }
0x52: {  	v3 =	vor.u32 $0x3, v1;
	_ =	sdelay $0x4  }
0x53: {  	v4 =	vshll.u32 v2, $0x10;
	v2 =	vand.u32 $0xFFFF0000, v2  }
0x54: {  	[tilespmem:s12+$0xFFFFFA00] =	vst v4  }
0x55: {  	[tilespmem:s12+$0x200] =	vst v2  }
0x56: {  	v2 =	vld.idx.msk [tilespmem:v3+s7+$0x0], $0xffff;
	v3 =	vor.u32 $0x4, v1;
	_ =	sdelay $0x5  }
0x57: {  	v4 =	vshll.u32 v2, $0x10;
	v2 =	vand.u32 $0xFFFF0000, v2  }
0x58: {  	[tilespmem:s12+$0xFFFFFB00] =	vst v4  }
0x59: {  	[tilespmem:s12+$0x300] =	vst v2;
	v2 =	vor.u32 $0x5, v1  }
0x5a: {  	v3 =	vld.idx.msk [tilespmem:v3+s7+$0x0], $0xffff;
	_ =	sdelay $0x5  }
0x5b: {  	v4 =	vshll.u32 v3, $0x10;
	v3 =	vand.u32 $0xFFFF0000, v3  }
0x5c: {  	[tilespmem:s12+$0xFFFFFC00] =	vst v4;
	v4 =	vor.u32 $0x6, v1  }
0x5d: {  	[tilespmem:s12+$0x400] =	vst v3  }
0x5e: {  	v2 =	vld.idx.msk [tilespmem:v2+s7+$0x0], $0xffff;
	_ =	sdelay $0x5  }
0x5f: {  	v1 =	vor.u32 $0x7, v1;
	v3 =	vshll.u32 v2, $0x10;
	v2 =	vand.u32 $0xFFFF0000, v2  }
0x60: {  	[tilespmem:s12+$0xFFFFFD00] =	vst v3  }
0x61: {  	[tilespmem:s12+$0x500] =	vst v2  }
0x62: {  	v2 =	vld.idx.msk [tilespmem:v4+s7+$0x0], $0xffff;
	_ =	sdelay $0x3  }
.Ltmp0:
0x63: {  	(pc) =	sbr.rel @p0 .LBB2_2-.Ltmp0, $4  }
0x64: {  	_ = 	snop  }
0x65: {  	v3 =	vshll.u32 v2, $0x10;
	v2 =	vand.u32 $0xFFFF0000, v2  }
0x66: {  	[tilespmem:s12+$0xFFFFFE00] =	vst v3  }
0x67: {  	[tilespmem:s12+$0x600] =	vst v2  }
0x68: {  	_ =	sdelay $0x3  }
0x69: {  	v1 =	vld.idx.msk [tilespmem:v1+s7+$0x0], $0xffff;
	_ =	sdelay $0x4  }
0x6a: {  	s11 =	sadd.s32 $0x1, s11;
	v2 =	vshll.u32 v1, $0x10  }
0x6b: {  	p0 =	sne.s32 s11, s6;
	v1 =	vand.u32 $0xFFFF0000, v1;
	[tilespmem:s13+$0xFFFFFF00] =	vst v2  }
.Ltmp1:
0x6c: {  	[tilespmem:s13+$0x700] =	vst v1;
	(pc) =	sbr.rel @p0 .LBB2_1-.Ltmp1, $4  }
0x6d: {  	[hbm4b:s5+s2] =	stream.linear.scatter [tilespmem:s9], [sflag:$0x2], $0x1000, $0x38;
	[tilespmem:$0x9100] =	vst v63  }
0x6e: {  	_ =	swait.ge [sflag:s10], $0x1000  }
0x6f: {  	[sflag:s10] =	ssyncset.done $0x0  }
0x70: {  	[sflag:s10] =	ssyncadd.s32 $0xFFFFF000  }
0x71: {  	_ =	sfence.sel $0x180000  }
0x72: {  	[bflag:$0x0] =	sbarrier.arrive $0xFFFF  }
0x73: {  	p0 =	sne.s32 s1, $0x0;
	_ =	strace $0x90000047  }
0x74: {  	s0 =	sadd.s32 @!p0 $0x100000, s0;
	[bflag:$0x2] =	sbarrier.arrive $0xFFFF  }
0x75: {  	[sflag:s0] =	ssyncadd.tile.s32 @!p0 $0x1;
	_ =	shalt  }
.Lfunc_end2:
_tile_overlayer_lowered:
.L_overlay_start_2:
0x76: {  	(tag) =	ssettag $0x2  }
0x77: {  	s0 =	rddreg [dreg:$0x0];
	s2 =	stileid.u32  }
0x78: {  	s1 =	rddreg [dreg:$0x1];
	p0 =	sne.s32 s2, $0x0  }
0x79: {  	s3 =	rddreg [dreg:$0x2];
	[bflag:$0x3] =	sbarrier.arrive $0xFFFF;
	s2 =	simm.s32 @!p0 $0x1C02  }
0x7a: {  	[timem:s3], [sflag:s2] =	dma.local @!p0 [hbm:s0], s1  }
0x7b: {  	s0 =	simm.s32 @!p0 $0x2  }
0x7c: {  	_ =	swait.ge @!p0 [sflag:s0], s1  }
0x7d: {  	s1 =	ssub.s32 @!p0 $0x0, s1;
	[sflag:s0] =	ssyncset.done @!p0 $0x0  }
0x7e: {  	[sflag:s0] =	ssyncadd.s32 @!p0 s1  }
0x7f: {  	[bflag:$0x3] =	sbarrier.arrive $0xFFFF  }
0x80: {  	_ =	shalt  }

</sc_bundles>
